<compile_context>
chip_gen: v7x
topology: tpu7x:2x2x1
jax: 0.10.2.dev20260603
libtpu: 0.0.44.dev20260713+nightly
codegen_flags: <defaults>
</compile_context>

<pallas_src>
import functools

import jax
import jax.numpy as jnp
from jax import lax
from jax.experimental import pallas as pl
from jax.experimental.pallas import tpu as pltpu
from jax.experimental.pallas import tpu_sc as plsc

_B = 1024
_C = 100000
_H = 0.333
_S = 64.0
_M = 0.4
_EPS = 1e-06

_RB = 32
_NBLK = _B // _RB

_INTERPRET = False


def _poly_cos(g):
    g2 = g * g
    return 1.0 + g2 * (-0.5 + g2 * (1.0 / 24.0 + g2 * (-1.0 / 720.0 + g2 * (1.0 / 40320.0))))


def _poly_sin(g):
    g2 = g * g
    return g * (1.0 + g2 * (-1.0 / 6.0 + g2 * (1.0 / 120.0 + g2 * (-1.0 / 5040.0 + g2 * (1.0 / 362880.0)))))


def _gather_label_vals(logits, labels):
    info = plsc.get_sparse_core_info()
    nc, ns = info.num_cores, info.num_subcores
    nw = nc * ns
    bpw = _B // nw
    flat = logits.reshape(_B * _C)
    flat_idx = labels.astype(jnp.int32) + jnp.arange(_B, dtype=jnp.int32) * _C
    mesh = plsc.VectorSubcoreMesh(core_axis_name="c", subcore_axis_name="s")

    @functools.partial(
        pl.kernel,
        mesh=mesh,
        out_type=jax.ShapeDtypeStruct((_B,), jnp.float32),
        scratch_types=[
            pltpu.VMEM((bpw,), jnp.int32),
            pltpu.VMEM((bpw,), jnp.float32),
            pltpu.SemaphoreType.DMA,
        ],
    )
    def k(flat_hbm, idx_hbm, out_hbm, idx_v, vals_v, sem):
        wid = lax.axis_index("s") * nc + lax.axis_index("c")
        base = wid * bpw
        pltpu.sync_copy(idx_hbm.at[pl.ds(base, bpw)], idx_v)
        pltpu.async_copy(flat_hbm.at[idx_v], vals_v, sem).wait()
        pltpu.sync_copy(vals_v, out_hbm.at[pl.ds(base, bpw)])

    return k(flat, flat_idx)


def _stream_body(x_ref, z_ref):
    x = x_ref[...]
    c = jnp.clip(x, -1.0 + _EPS, 1.0 - _EPS)
    e = jnp.exp(c * _S - _S)
    z_ref[...] = jnp.sum(e, axis=1, keepdims=True)


def _combine_body(norms_ref, lab_ref, z_ref, out_ref):
    z0 = z_ref[...]
    norms = norms_ref[...]
    safe = jnp.clip(norms, 0.001, 100.0)
    mean = jnp.sum(safe) / _B
    var = jnp.sum((safe - mean) ** 2) / (_B - 1)
    std = jnp.sqrt(var)
    ms = jnp.clip((safe - mean) / (std + _EPS) * _H, -1.0, 1.0)
    g = -_M * ms
    cl = jnp.clip(lab_ref[...], -1.0 + _EPS, 1.0 - _EPS)
    s1 = jnp.sqrt(jnp.maximum((1.0 - cl) * (1.0 + cl), 0.0))
    ct = cl * _poly_cos(g) - s1 * _poly_sin(g)
    low = (g < _EPS) & (cl > _poly_cos(_EPS - g))
    high = (g > -_EPS) & (cl < -_poly_cos(_EPS + g))
    ct = jnp.where(low, 1.0, jnp.where(high, -1.0, ct))
    s_cor = (ct - (_M + _M * ms)) * _S
    s_unc = cl * _S
    z = z0 - jnp.exp(s_unc - _S) + jnp.exp(s_cor - _S)
    nll = jnp.log(z) + _S - s_cor
    out_ref[...] = jnp.reshape(jnp.sum(nll) / _B, (1, 1))


def kernel(logits, norms, labels):
    lab_vals = _gather_label_vals(logits, labels).reshape(_B, 1)
    z = pl.pallas_call(
        _stream_body,
        grid=(_NBLK,),
        in_specs=[pl.BlockSpec((_RB, _C), lambda i: (i, 0))],
        out_specs=pl.BlockSpec((_RB, 1), lambda i: (i, 0)),
        out_shape=jax.ShapeDtypeStruct((_B, 1), jnp.float32),
        interpret=_INTERPRET,
    )(logits)
    out = pl.pallas_call(
        _combine_body,
        out_shape=jax.ShapeDtypeStruct((1, 1), jnp.float32),
        interpret=_INTERPRET,
    )(norms, lab_vals, z)
    return out[0, 0]

# --- scband reference (transcript-rebuilt; emitter-appended) ---
"""Pipeline reference for scband-ada-face-loss-63110249447794 (READ-ONLY COPY).

The authoritative reference and input builder live on the scoring server;
editing this copy changes nothing except your own understanding.
"""

import jax, jax.numpy as jnp
import numpy as np
import math

B = 1024
C = 100000
H = 0.333
S = 64.0
M = 0.4
EPS = 1e-06

def setup_inputs(seed: int = 0) -> dict:
    key = jax.random.key(seed)
    k1, k2, k3 = jax.random.split(key, 3)
    logits = jax.random.uniform(k1, (B, C), dtype=jnp.float32)
    norms = jax.random.uniform(k2, (B, 1), dtype=jnp.float32)
    labels = jax.random.randint(k3, (B,), 0, C, dtype=jnp.int32)
    return {"logits": logits, "norms": norms, "labels": labels}

def reference(logits, norms, labels):
    labels = labels.astype(jnp.int32)
    cosine = jnp.clip(logits, -1.0 + EPS, 1.0 - EPS)
    safe_norms = jnp.clip(norms, 0.001, 100.0)
    safe_norms = jax.lax.stop_gradient(safe_norms)
    # training=True, t_alpha=1.0 => EMA buffers become the batch stats
    mean = jnp.mean(safe_norms)
    std = jnp.std(safe_norms, ddof=1)  # torch .std() is unbiased
    batch_mean = mean * 1.0 + (1.0 - 1.0) * 20.0
    batch_std = std * 1.0 + (1.0 - 1.0) * 100.0
    margin_scaler = (safe_norms - batch_mean) / (batch_std + EPS)
    margin_scaler = margin_scaler * H
    margin_scaler = jnp.clip(margin_scaler, -1.0, 1.0)
    rows = jnp.arange(B, dtype=jnp.int32)
    mask = jnp.zeros_like(cosine).at[rows, labels].set(1.0)
    g_angular = M * margin_scaler * -1.0  # [B,1]
    m_arc = mask * g_angular
    theta = jnp.arccos(cosine)
    theta_m = jnp.clip(theta + m_arc, EPS, math.pi - EPS)
    cosine_m_angular = jnp.cos(theta_m)
    g_add = M + M * margin_scaler  # [B,1]
    m_cos = mask * g_add
    cosine_m_final = cosine_m_angular - m_cos
    scaled = cosine_m_final * S
    logp = jax.nn.log_softmax(scaled, axis=-1)
    nll = -jnp.take_along_axis(logp, labels[:, None], axis=1)[:, 0]
    loss = jnp.mean(nll)
    return loss

if __name__ == "__main__":
    import jax
    _d = setup_inputs()
    print(jax.jit(kernel)(*tuple(_d.values())))

</pallas_src>

<mosaic_0001>
#map = affine_map<(d0, d1) -> (0)>
module attributes {stable_mosaic.version = 14 : i64} {
  func.func @k(%arg0: i32, %arg1: i32, %arg2: memref<102400000xf32, #tpu.memory_space<hbm>>, %arg3: memref<1024xi32, #tpu.memory_space<hbm>>, %arg4: memref<1024xf32, #tpu.memory_space<hbm>>, %arg5: memref<32xi32, #tpu.memory_space<vmem>>, %arg6: memref<32xf32, #tpu.memory_space<vmem>>, %arg7: memref<!tpu.dma_semaphore, #tpu.memory_space<semaphore_mem>>) attributes {dimension_semantics = [#tpu.dimension_semantics<core_parallel>, #tpu.dimension_semantics<subcore_parallel>], iteration_bounds = array<i64: 2, 16>, scalar_prefetch = 0 : i64, scratch_operands = 3 : i64, tpu.core_type = #tpu.core_type<sc_vector_subcore>, window_params = [{transform_indices = #map}, {transform_indices = #map}, {transform_indices = #map}]} {
    %mul3A = arith.constant 2 : i32
    %mul3A_0 = arith.muli %arg1, %mul3A : i32
    %add3A = arith.addi %mul3A_0, %arg0 : i32
    %mul3A_1 = arith.constant 32 : i32
    %mul3A_2 = arith.muli %add3A, %mul3A_1 : i32
    "tpu.region"() ({
      %run_scoped3A = tpu.sem_alloc : memref<!tpu.dma_semaphore, #tpu.memory_space<semaphore_mem>>
      %dma_start3A_5 = tpu.memref_slice %arg3[%mul3A_2] : memref<1024xi32, #tpu.memory_space<hbm>> -> memref<32xi32, #tpu.memory_space<hbm>>
      %dma_start3A_6 = tpu.memref_slice %arg3[%mul3A_2] : memref<1024xi32, #tpu.memory_space<hbm>> -> memref<32xi32, #tpu.memory_space<hbm>>
      tpu.enqueue_dma source(%dma_start3A_6 : memref<32xi32, #tpu.memory_space<hbm>>) target(%arg5 : memref<32xi32, #tpu.memory_space<vmem>>) target_semaphore(%run_scoped3A : memref<!tpu.dma_semaphore, #tpu.memory_space<semaphore_mem>>)
      %dma_wait3A_7 = tpu.memref_slice %arg3[%mul3A_2] : memref<1024xi32, #tpu.memory_space<hbm>> -> memref<32xi32, #tpu.memory_space<hbm>>
      %dma_wait3A_8 = tpu.memref_slice %arg3[%mul3A_2] : memref<1024xi32, #tpu.memory_space<hbm>> -> memref<32xi32, #tpu.memory_space<hbm>>
      tpu.wait_dma2 semaphore(%run_scoped3A : memref<!tpu.dma_semaphore, #tpu.memory_space<semaphore_mem>>) src(%dma_wait3A_8 : memref<32xi32, #tpu.memory_space<hbm>>) dst(%arg5 : memref<32xi32, #tpu.memory_space<vmem>>)
      tpu.yield
    }) : () -> ()
    %dma_start3A = arith.constant 0 : i32
    %dma_start3A_3 = tpu.memref_slice %arg2[%dma_start3A] : memref<102400000xf32, #tpu.memory_space<hbm>> -> memref<102400000xf32, #tpu.memory_space<hbm>>
    tpu.enqueue_indirect_dma source(%dma_start3A_3 : memref<102400000xf32, #tpu.memory_space<hbm>>) target(%arg6 : memref<32xf32, #tpu.memory_space<vmem>>) offsets(%arg5 : memref<32xi32, #tpu.memory_space<vmem>>) semaphore(%arg7 : memref<!tpu.dma_semaphore, #tpu.memory_space<semaphore_mem>>)
    %dma_wait3A = arith.constant 0 : i32
    %dma_wait3A_4 = tpu.memref_slice %arg2[%dma_wait3A] : memref<102400000xf32, #tpu.memory_space<hbm>> -> memref<102400000xf32, #tpu.memory_space<hbm>>
    tpu.wait_indirect_dma semaphore(%arg7 : memref<!tpu.dma_semaphore, #tpu.memory_space<semaphore_mem>>) src(%dma_wait3A_4 : memref<102400000xf32, #tpu.memory_space<hbm>>) dst(%arg6 : memref<32xf32, #tpu.memory_space<vmem>>)
    "tpu.region"() ({
      %run_scoped3A = tpu.sem_alloc : memref<!tpu.dma_semaphore, #tpu.memory_space<semaphore_mem>>
      %dma_start3A_5 = tpu.memref_slice %arg4[%mul3A_2] : memref<1024xf32, #tpu.memory_space<hbm>> -> memref<32xf32, #tpu.memory_space<hbm>>
      %dma_start3A_6 = tpu.memref_slice %arg4[%mul3A_2] : memref<1024xf32, #tpu.memory_space<hbm>> -> memref<32xf32, #tpu.memory_space<hbm>>
      tpu.enqueue_dma source(%arg6 : memref<32xf32, #tpu.memory_space<vmem>>) target(%dma_start3A_6 : memref<32xf32, #tpu.memory_space<hbm>>) target_semaphore(%run_scoped3A : memref<!tpu.dma_semaphore, #tpu.memory_space<semaphore_mem>>)
      %dma_wait3A_7 = tpu.memref_slice %arg4[%mul3A_2] : memref<1024xf32, #tpu.memory_space<hbm>> -> memref<32xf32, #tpu.memory_space<hbm>>
      %dma_wait3A_8 = tpu.memref_slice %arg4[%mul3A_2] : memref<1024xf32, #tpu.memory_space<hbm>> -> memref<32xf32, #tpu.memory_space<hbm>>
      tpu.wait_dma2 semaphore(%run_scoped3A : memref<!tpu.dma_semaphore, #tpu.memory_space<semaphore_mem>>) src(%arg6 : memref<32xf32, #tpu.memory_space<vmem>>) dst(%dma_wait3A_8 : memref<32xf32, #tpu.memory_space<hbm>>)
      tpu.yield
    }) : () -> ()
    return
  }
}

module attributes {stable_mosaic.version = 14 : i64} {
  func.func @_stream_body(%arg0: i32, %arg1: memref<32x100000xf32, #tpu.memory_space<vmem>>, %arg2: memref<32x1xf32, #tpu.memory_space<vmem>>) attributes {dimension_semantics = [#tpu.dimension_semantics<arbitrary>], iteration_bounds = array<i64: 32>, scalar_prefetch = 0 : i64, scratch_operands = 0 : i64, tpu.core_type = #tpu.core_type<tc>, window_params = [{transform_indices = @transform_0, window_bounds = array<i64: 32, 100000>}, {transform_indices = @transform_1, window_bounds = array<i64: 32, 1>}]} {
    %get3A = arith.constant 0 : index
    %get3A_0 = arith.constant 0 : index
    %get3A_1 = vector.load %arg1[%get3A, %get3A_0] : memref<32x100000xf32, #tpu.memory_space<vmem>>, vector<32x100000xf32>
    %jit3A = arith.constant -0.999998986 : f32
    %jit3A_2 = arith.constant 0.999998986 : f32
    %max3A = vector.broadcast %jit3A : f32 to vector<32x100000xf32>
    %max3A_3 = arith.maximumf %max3A, %get3A_1 : vector<32x100000xf32>
    %min3A = vector.broadcast %jit3A_2 : f32 to vector<32x100000xf32>
    %min3A_4 = arith.minimumf %min3A, %max3A_3 : vector<32x100000xf32>
    %mul3A = arith.constant 6.400000e+01 : f32
    %mul3A_5 = vector.broadcast %mul3A : f32 to vector<32x100000xf32>
    %mul3A_6 = arith.mulf %min3A_4, %mul3A_5 : vector<32x100000xf32>
    %sub3A = arith.constant 6.400000e+01 : f32
    %sub3A_7 = vector.broadcast %sub3A : f32 to vector<32x100000xf32>
    %sub3A_8 = arith.subf %mul3A_6, %sub3A_7 : vector<32x100000xf32>
    %exp3A = math.exp %sub3A_8 : vector<32x100000xf32>
    %reduce_sum3A = arith.constant dense<0.000000e+00> : vector<32xf32>
    %reduce_sum3A_9 = vector.multi_reduction <add>, %exp3A, %reduce_sum3A [1] : vector<32x100000xf32> to vector<32xf32>
    %broadcast_in_dim3A = vector.shape_cast %reduce_sum3A_9 : vector<32xf32> to vector<32x1xf32>
    %swap3A = arith.constant 0 : index
    %swap3A_10 = arith.constant 0 : index
    %swap3A_11 = vector.load %arg2[%swap3A, %swap3A_10] : memref<32x1xf32, #tpu.memory_space<vmem>>, vector<32x1xf32>
    tpu.vector_store %arg2[%swap3A, %swap3A_10], %broadcast_in_dim3A {strides = array<i32>} : memref<32x1xf32, #tpu.memory_space<vmem>>, vector<32x1xf32>,
    return
  }
  func.func @transform_0(%arg0: i32) -> (i32, i32) {
    %c0_i32 = arith.constant 0 : i32
    %c0_i32_0 = arith.constant 0 : i32
    return %arg0, %c0_i32 : i32, i32
  }
  func.func @transform_1(%arg0: i32) -> (i32, i32) {
    %c0_i32 = arith.constant 0 : i32
    %c0_i32_0 = arith.constant 0 : i32
    return %arg0, %c0_i32 : i32, i32
  }
}

module attributes {stable_mosaic.version = 14 : i64} {
  func.func @_combine_body(%arg0: memref<1024x1xf32, #tpu.memory_space<vmem>>, %arg1: memref<1024x1xf32, #tpu.memory_space<vmem>>, %arg2: memref<1024x1xf32, #tpu.memory_space<vmem>>, %arg3: memref<1x1xf32, #tpu.memory_space<vmem>>) attributes {dimension_semantics = [], scalar_prefetch = 0 : i64, scratch_operands = 0 : i64, tpu.core_type = #tpu.core_type<tc>} {
    %get3A = arith.constant 0 : index
    %get3A_0 = arith.constant 0 : index
    %get3A_1 = vector.load %arg2[%get3A, %get3A_0] : memref<1024x1xf32, #tpu.memory_space<vmem>>, vector<1024x1xf32>
    %get3A_2 = arith.constant 0 : index
    %get3A_3 = arith.constant 0 : index
    %get3A_4 = vector.load %arg0[%get3A_2, %get3A_3] : memref<1024x1xf32, #tpu.memory_space<vmem>>, vector<1024x1xf32>
    %jit3A = arith.constant 1.000000e-03 : f32
    %jit3A_5 = arith.constant 1.000000e+02 : f32
    %max3A = vector.broadcast %jit3A : f32 to vector<1024x1xf32>
    %max3A_6 = arith.maximumf %max3A, %get3A_4 : vector<1024x1xf32>
    %min3A = vector.broadcast %jit3A_5 : f32 to vector<1024x1xf32>
    %min3A_7 = arith.minimumf %min3A, %max3A_6 : vector<1024x1xf32>
    %reduce_sum3A = vector.shape_cast %min3A_7 : vector<1024x1xf32> to vector<1x1024x1xf32>
    %reduce_sum3A_8 = arith.constant dense<0.000000e+00> : vector<1xf32>
    %reduce_sum3A_9 = vector.multi_reduction <add>, %reduce_sum3A, %reduce_sum3A_8 [1, 2] : vector<1x1024x1xf32> to vector<1xf32>
    %reduce_sum3A_10 = vector.shape_cast %reduce_sum3A_9 : vector<1xf32> to vector<1x1x1xf32>
    %reduce_sum3A_11 = vector.extract %reduce_sum3A_10[0, 0, 0] : f32 from vector<1x1x1xf32>
    %div3A = arith.constant 1.024000e+03 : f32
    %div3A_12 = arith.divf %reduce_sum3A_11, %div3A : f32
    %sub3A = vector.broadcast %div3A_12 : f32 to vector<1024x1xf32>
    %sub3A_13 = arith.subf %min3A_7, %sub3A : vector<1024x1xf32>
    %integer_pow3A = arith.mulf %sub3A_13, %sub3A_13 : vector<1024x1xf32>
    %reduce_sum3A_14 = vector.shape_cast %integer_pow3A : vector<1024x1xf32> to vector<1x1024x1xf32>
    %reduce_sum3A_15 = arith.constant dense<0.000000e+00> : vector<1xf32>
    %reduce_sum3A_16 = vector.multi_reduction <add>, %reduce_sum3A_14, %reduce_sum3A_15 [1, 2] : vector<1x1024x1xf32> to vector<1xf32>
    %reduce_sum3A_17 = vector.shape_cast %reduce_sum3A_16 : vector<1xf32> to vector<1x1x1xf32>
    %reduce_sum3A_18 = vector.extract %reduce_sum3A_17[0, 0, 0] : f32 from vector<1x1x1xf32>
    %div3A_19 = arith.constant 1.023000e+03 : f32
    %div3A_20 = arith.divf %reduce_sum3A_18, %div3A_19 : f32
    %sqrt3A = math.sqrt %div3A_20 : f32
    %sub3A_21 = vector.broadcast %div3A_12 : f32 to vector<1024x1xf32>
    %sub3A_22 = arith.subf %min3A_7, %sub3A_21 : vector<1024x1xf32>
    %add3A = arith.constant 9.99999997E-7 : f32
    %add3A_23 = arith.addf %sqrt3A, %add3A : f32
    %div3A_24 = vector.broadcast %add3A_23 : f32 to vector<1024x1xf32>
    %div3A_25 = arith.divf %sub3A_22, %div3A_24 : vector<1024x1xf32>
    %mul3A = arith.constant 3.330000e-01 : f32
    %mul3A_26 = vector.broadcast %mul3A : f32 to vector<1024x1xf32>
    %mul3A_27 = arith.mulf %div3A_25, %mul3A_26 : vector<1024x1xf32>
    %jit3A_28 = arith.constant -1.000000e+00 : f32
    %jit3A_29 = arith.constant 1.000000e+00 : f32
    %max3A_30 = vector.broadcast %jit3A_28 : f32 to vector<1024x1xf32>
    %max3A_31 = arith.maximumf %max3A_30, %mul3A_27 : vector<1024x1xf32>
    %min3A_32 = vector.broadcast %jit3A_29 : f32 to vector<1024x1xf32>
    %min3A_33 = arith.minimumf %min3A_32, %max3A_31 : vector<1024x1xf32>
    %mul3A_34 = arith.constant -4.000000e-01 : f32
    %mul3A_35 = vector.broadcast %mul3A_34 : f32 to vector<1024x1xf32>
    %mul3A_36 = arith.mulf %mul3A_35, %min3A_33 : vector<1024x1xf32>
    %get3A_37 = arith.constant 0 : index
    %get3A_38 = arith.constant 0 : index
    %get3A_39 = vector.load %arg1[%get3A_37, %get3A_38] : memref<1024x1xf32, #tpu.memory_space<vmem>>, vector<1024x1xf32>
    %jit3A_40 = arith.constant -0.999998986 : f32
    %jit3A_41 = arith.constant 0.999998986 : f32
    %max3A_42 = vector.broadcast %jit3A_40 : f32 to vector<1024x1xf32>
    %max3A_43 = arith.maximumf %max3A_42, %get3A_39 : vector<1024x1xf32>
    %min3A_44 = vector.broadcast %jit3A_41 : f32 to vector<1024x1xf32>
    %min3A_45 = arith.minimumf %min3A_44, %max3A_43 : vector<1024x1xf32>
    %sub3A_46 = arith.constant 1.000000e+00 : f32
    %sub3A_47 = vector.broadcast %sub3A_46 : f32 to vector<1024x1xf32>
    %sub3A_48 = arith.subf %sub3A_47, %min3A_45 : vector<1024x1xf32>
    %add3A_49 = arith.constant 1.000000e+00 : f32
    %add3A_50 = vector.broadcast %add3A_49 : f32 to vector<1024x1xf32>
    %add3A_51 = arith.addf %add3A_50, %min3A_45 : vector<1024x1xf32>
    %mul3A_52 = arith.mulf %sub3A_48, %add3A_51 : vector<1024x1xf32>
    %max3A_53 = arith.constant 0.000000e+00 : f32
    %max3A_54 = vector.broadcast %max3A_53 : f32 to vector<1024x1xf32>
    %max3A_55 = arith.maximumf %mul3A_52, %max3A_54 : vector<1024x1xf32>
    %sqrt3A_56 = math.sqrt %max3A_55 : vector<1024x1xf32>
    %mul3A_57 = arith.mulf %mul3A_36, %mul3A_36 : vector<1024x1xf32>
    %mul3A_58 = arith.constant 2.48015876E-5 : f32
    %mul3A_59 = vector.broadcast %mul3A_58 : f32 to vector<1024x1xf32>
    %mul3A_60 = arith.mulf %mul3A_57, %mul3A_59 : vector<1024x1xf32>
    %add3A_61 = arith.constant -0.00138888892 : f32
    %add3A_62 = vector.broadcast %add3A_61 : f32 to vector<1024x1xf32>
    %add3A_63 = arith.addf %add3A_62, %mul3A_60 : vector<1024x1xf32>
    %mul3A_64 = arith.mulf %mul3A_57, %add3A_63 : vector<1024x1xf32>
    %add3A_65 = arith.constant 0.0416666679 : f32
    %add3A_66 = vector.broadcast %add3A_65 : f32 to vector<1024x1xf32>
    %add3A_67 = arith.addf %add3A_66, %mul3A_64 : vector<1024x1xf32>
    %mul3A_68 = arith.mulf %mul3A_57, %add3A_67 : vector<1024x1xf32>
    %add3A_69 = arith.constant -5.000000e-01 : f32
    %add3A_70 = vector.broadcast %add3A_69 : f32 to vector<1024x1xf32>
    %add3A_71 = arith.addf %add3A_70, %mul3A_68 : vector<1024x1xf32>
    %mul3A_72 = arith.mulf %mul3A_57, %add3A_71 : vector<1024x1xf32>
    %add3A_73 = arith.constant 1.000000e+00 : f32
    %add3A_74 = vector.broadcast %add3A_73 : f32 to vector<1024x1xf32>
    %add3A_75 = arith.addf %add3A_74, %mul3A_72 : vector<1024x1xf32>
    %mul3A_76 = arith.mulf %min3A_45, %add3A_75 : vector<1024x1xf32>
    %mul3A_77 = arith.mulf %mul3A_36, %mul3A_36 : vector<1024x1xf32>
    %mul3A_78 = arith.constant 2.75573188E-6 : f32
    %mul3A_79 = vector.broadcast %mul3A_78 : f32 to vector<1024x1xf32>
    %mul3A_80 = arith.mulf %mul3A_77, %mul3A_79 : vector<1024x1xf32>
    %add3A_81 = arith.constant -1.98412701E-4 : f32
    %add3A_82 = vector.broadcast %add3A_81 : f32 to vector<1024x1xf32>
    %add3A_83 = arith.addf %add3A_82, %mul3A_80 : vector<1024x1xf32>
    %mul3A_84 = arith.mulf %mul3A_77, %add3A_83 : vector<1024x1xf32>
    %add3A_85 = arith.constant 0.00833333377 : f32
    %add3A_86 = vector.broadcast %add3A_85 : f32 to vector<1024x1xf32>
    %add3A_87 = arith.addf %add3A_86, %mul3A_84 : vector<1024x1xf32>
    %mul3A_88 = arith.mulf %mul3A_77, %add3A_87 : vector<1024x1xf32>
    %add3A_89 = arith.constant -0.166666672 : f32
    %add3A_90 = vector.broadcast %add3A_89 : f32 to vector<1024x1xf32>
    %add3A_91 = arith.addf %add3A_90, %mul3A_88 : vector<1024x1xf32>
    %mul3A_92 = arith.mulf %mul3A_77, %add3A_91 : vector<1024x1xf32>
    %add3A_93 = arith.constant 1.000000e+00 : f32
    %add3A_94 = vector.broadcast %add3A_93 : f32 to vector<1024x1xf32>
    %add3A_95 = arith.addf %add3A_94, %mul3A_92 : vector<1024x1xf32>
    %mul3A_96 = arith.mulf %mul3A_36, %add3A_95 : vector<1024x1xf32>
    %mul3A_97 = arith.mulf %sqrt3A_56, %mul3A_96 : vector<1024x1xf32>
    %sub3A_98 = arith.subf %mul3A_76, %mul3A_97 : vector<1024x1xf32>
    %lt3A = arith.constant 9.99999997E-7 : f32
    %lt3A_99 = vector.broadcast %lt3A : f32 to vector<1024x1xf32>
    %lt3A_100 = arith.cmpf olt, %mul3A_36, %lt3A_99 : vector<1024x1xf32>
    %sub3A_101 = arith.constant 9.99999997E-7 : f32
    %sub3A_102 = vector.broadcast %sub3A_101 : f32 to vector<1024x1xf32>
    %sub3A_103 = arith.subf %sub3A_102, %mul3A_36 : vector<1024x1xf32>
    %mul3A_104 = arith.mulf %sub3A_103, %sub3A_103 : vector<1024x1xf32>
    %mul3A_105 = arith.constant 2.48015876E-5 : f32
    %mul3A_106 = vector.broadcast %mul3A_105 : f32 to vector<1024x1xf32>
    %mul3A_107 = arith.mulf %mul3A_104, %mul3A_106 : vector<1024x1xf32>
    %add3A_108 = arith.constant -0.00138888892 : f32
    %add3A_109 = vector.broadcast %add3A_108 : f32 to vector<1024x1xf32>
    %add3A_110 = arith.addf %add3A_109, %mul3A_107 : vector<1024x1xf32>
    %mul3A_111 = arith.mulf %mul3A_104, %add3A_110 : vector<1024x1xf32>
    %add3A_112 = arith.constant 0.0416666679 : f32
    %add3A_113 = vector.broadcast %add3A_112 : f32 to vector<1024x1xf32>
    %add3A_114 = arith.addf %add3A_113, %mul3A_111 : vector<1024x1xf32>
    %mul3A_115 = arith.mulf %mul3A_104, %add3A_114 : vector<1024x1xf32>
    %add3A_116 = arith.constant -5.000000e-01 : f32
    %add3A_117 = vector.broadcast %add3A_116 : f32 to vector<1024x1xf32>
    %add3A_118 = arith.addf %add3A_117, %mul3A_115 : vector<1024x1xf32>
    %mul3A_119 = arith.mulf %mul3A_104, %add3A_118 : vector<1024x1xf32>
    %add3A_120 = arith.constant 1.000000e+00 : f32
    %add3A_121 = vector.broadcast %add3A_120 : f32 to vector<1024x1xf32>
    %add3A_122 = arith.addf %add3A_121, %mul3A_119 : vector<1024x1xf32>
    %gt3A = arith.cmpf ogt, %min3A_45, %add3A_122 : vector<1024x1xf32>
    %and3A = arith.andi %lt3A_100, %gt3A : vector<1024x1xi1>
    %gt3A_123 = arith.constant -9.99999997E-7 : f32
    %gt3A_124 = vector.broadcast %gt3A_123 : f32 to vector<1024x1xf32>
    %gt3A_125 = arith.cmpf ogt, %mul3A_36, %gt3A_124 : vector<1024x1xf32>
    %add3A_126 = arith.constant 9.99999997E-7 : f32
    %add3A_127 = vector.broadcast %add3A_126 : f32 to vector<1024x1xf32>
    %add3A_128 = arith.addf %add3A_127, %mul3A_36 : vector<1024x1xf32>
    %mul3A_129 = arith.mulf %add3A_128, %add3A_128 : vector<1024x1xf32>
    %mul3A_130 = arith.constant 2.48015876E-5 : f32
    %mul3A_131 = vector.broadcast %mul3A_130 : f32 to vector<1024x1xf32>
    %mul3A_132 = arith.mulf %mul3A_129, %mul3A_131 : vector<1024x1xf32>
    %add3A_133 = arith.constant -0.00138888892 : f32
    %add3A_134 = vector.broadcast %add3A_133 : f32 to vector<1024x1xf32>
    %add3A_135 = arith.addf %add3A_134, %mul3A_132 : vector<1024x1xf32>
    %mul3A_136 = arith.mulf %mul3A_129, %add3A_135 : vector<1024x1xf32>
    %add3A_137 = arith.constant 0.0416666679 : f32
    %add3A_138 = vector.broadcast %add3A_137 : f32 to vector<1024x1xf32>
    %add3A_139 = arith.addf %add3A_138, %mul3A_136 : vector<1024x1xf32>
    %mul3A_140 = arith.mulf %mul3A_129, %add3A_139 : vector<1024x1xf32>
    %add3A_141 = arith.constant -5.000000e-01 : f32
    %add3A_142 = vector.broadcast %add3A_141 : f32 to vector<1024x1xf32>
    %add3A_143 = arith.addf %add3A_142, %mul3A_140 : vector<1024x1xf32>
    %mul3A_144 = arith.mulf %mul3A_129, %add3A_143 : vector<1024x1xf32>
    %add3A_145 = arith.constant 1.000000e+00 : f32
    %add3A_146 = vector.broadcast %add3A_145 : f32 to vector<1024x1xf32>
    %add3A_147 = arith.addf %add3A_146, %mul3A_144 : vector<1024x1xf32>
    %neg3A = arith.constant 0.000000e+00 : f32
    %neg3A_148 = vector.broadcast %neg3A : f32 to vector<1024x1xf32>
    %neg3A_149 = arith.subf %neg3A_148, %add3A_147 : vector<1024x1xf32>
    %lt3A_150 = arith.cmpf olt, %min3A_45, %neg3A_149 : vector<1024x1xf32>
    %and3A_151 = arith.andi %gt3A_125, %lt3A_150 : vector<1024x1xi1>
    %jit3A_152 = arith.constant -1.000000e+00 : f32
    %broadcast_in_dim3A = vector.broadcast %jit3A_152 : f32 to vector<1024x1xf32>
    %select_n3A = arith.select %and3A_151, %broadcast_in_dim3A, %sub3A_98 : vector<1024x1xi1>, vector<1024x1xf32>
    %jit3A_153 = arith.constant 1.000000e+00 : f32
    %broadcast_in_dim3A_154 = vector.broadcast %jit3A_153 : f32 to vector<1024x1xf32>
    %select_n3A_155 = arith.select %and3A, %broadcast_in_dim3A_154, %select_n3A : vector<1024x1xi1>, vector<1024x1xf32>
    %mul3A_156 = arith.constant 4.000000e-01 : f32
    %mul3A_157 = vector.broadcast %mul3A_156 : f32 to vector<1024x1xf32>
    %mul3A_158 = arith.mulf %mul3A_157, %min3A_33 : vector<1024x1xf32>
    %add3A_159 = arith.constant 4.000000e-01 : f32
    %add3A_160 = vector.broadcast %add3A_159 : f32 to vector<1024x1xf32>
    %add3A_161 = arith.addf %add3A_160, %mul3A_158 : vector<1024x1xf32>
    %sub3A_162 = arith.subf %select_n3A_155, %add3A_161 : vector<1024x1xf32>
    %mul3A_163 = arith.constant 6.400000e+01 : f32
    %mul3A_164 = vector.broadcast %mul3A_163 : f32 to vector<1024x1xf32>
    %mul3A_165 = arith.mulf %sub3A_162, %mul3A_164 : vector<1024x1xf32>
    %mul3A_166 = arith.constant 6.400000e+01 : f32
    %mul3A_167 = vector.broadcast %mul3A_166 : f32 to vector<1024x1xf32>
    %mul3A_168 = arith.mulf %min3A_45, %mul3A_167 : vector<1024x1xf32>
    %sub3A_169 = arith.constant 6.400000e+01 : f32
    %sub3A_170 = vector.broadcast %sub3A_169 : f32 to vector<1024x1xf32>
    %sub3A_171 = arith.subf %mul3A_168, %sub3A_170 : vector<1024x1xf32>
    %exp3A = math.exp %sub3A_171 : vector<1024x1xf32>
    %sub3A_172 = arith.subf %get3A_1, %exp3A : vector<1024x1xf32>
    %sub3A_173 = arith.constant 6.400000e+01 : f32
    %sub3A_174 = vector.broadcast %sub3A_173 : f32 to vector<1024x1xf32>
    %sub3A_175 = arith.subf %mul3A_165, %sub3A_174 : vector<1024x1xf32>
    %exp3A_176 = math.exp %sub3A_175 : vector<1024x1xf32>
    %add3A_177 = arith.addf %sub3A_172, %exp3A_176 : vector<1024x1xf32>
    %log3A = math.log %add3A_177 : vector<1024x1xf32>
    %add3A_178 = arith.constant 6.400000e+01 : f32
    %add3A_179 = vector.broadcast %add3A_178 : f32 to vector<1024x1xf32>
    %add3A_180 = arith.addf %log3A, %add3A_179 : vector<1024x1xf32>
    %sub3A_181 = arith.subf %add3A_180, %mul3A_165 : vector<1024x1xf32>
    %reduce_sum3A_182 = vector.shape_cast %sub3A_181 : vector<1024x1xf32> to vector<1x1024x1xf32>
    %reduce_sum3A_183 = arith.constant dense<0.000000e+00> : vector<1xf32>
    %reduce_sum3A_184 = vector.multi_reduction <add>, %reduce_sum3A_182, %reduce_sum3A_183 [1, 2] : vector<1x1024x1xf32> to vector<1xf32>
    %reduce_sum3A_185 = vector.shape_cast %reduce_sum3A_184 : vector<1xf32> to vector<1x1x1xf32>
    %reduce_sum3A_186 = vector.extract %reduce_sum3A_185[0, 0, 0] : f32 from vector<1x1x1xf32>
    %div3A_187 = arith.constant 1.024000e+03 : f32
    %div3A_188 = arith.divf %reduce_sum3A_186, %div3A_187 : f32
    %reshape3A = vector.broadcast %div3A_188 : f32 to vector<1x1xf32>
    %swap3A = arith.constant 0 : index
    %swap3A_189 = arith.constant 0 : index
    %swap3A_190 = vector.load %arg3[%swap3A, %swap3A_189] : memref<1x1xf32, #tpu.memory_space<vmem>>, vector<1x1xf32>
    tpu.vector_store %arg3[%swap3A, %swap3A_189], %reshape3A {strides = array<i32>} : memref<1x1xf32, #tpu.memory_space<vmem>>, vector<1x1xf32>,
    return
  }
}

</mosaic_0001>

<sc_bundles>
// kernel: kernel.5.cloned.1.call-start
scs
__scs_entry_jumppad:
0x0: {  	(pc) =	sbr.rel $0x88, $3  }
0x1: {  	(tag) =	ssettag $0x0;
	lr =	simm.s32 $0x1  }
0x2: {  	[smem:$0x3F9E] =	sst lr;
	_ =	strace $0xD0000000  }
0x3: {  	_ = 	snop  }
0x4: {  	_ = 	snop  }
0x5: {  	_ = 	snop  }
0x6: {  	_ = 	snop  }
0x7: {  	_ = 	snop  }
__scs_overlays_trampoline_lowered:
0x8: {  	[smem:$0x3FAD] =	sst s0  }
0x9: {  	[smem:$0x3FAE] =	sst s1  }
0xa: {  	[smem:$0x3FAF] =	sst s2  }
0xb: {  	[smem:$0x3FB0] =	sst s3  }
0xc: {  	[smem:$0x3FB1] =	sst s4  }
0xd: {  	[smem:$0x3FB2] =	sst s5  }
0xe: {  	[smem:$0x3FB3] =	sst s6  }
0xf: {  	[smem:$0x3FB4] =	sst s7  }
0x10: {  	[smem:$0x3FB5] =	sst s8  }
0x11: {  	[smem:$0x3FB6] =	sst s9;
	s0 =	simm.s32 @!p0 $0x0  }
0x12: {  	s1 =	sld [smem:$0x3F9C];
	s0 =	simm.s32 @p0 $0x1  }
0x13: {  	[smem:$0x3FB7] =	sst s0;
	s0 =	simm.s32 @!p1 $0x0  }
0x14: {  	s2 =	sld [smem:$0x3F9B];
	s0 =	simm.s32 @p1 $0x1  }
0x15: {  	[smem:$0x3FB8] =	sst s0;
	s0 =	simm.s32 @!p2 $0x0  }
0x16: {  	s3 =	sld [smem:$0x3FDB];
	s0 =	simm.s32 @p2 $0x1  }
0x17: {  	s4 =	simm.s32 $0x1BF5;
	[smem:$0x3FBA] =	sst s0  }
0x18: {  	s0 =	sld [smem:$0x3F9D];
	_ =	swait.ge [sflag:s4], $0x0  }
0x19: {  	s7 =	sld [smem:$0x3F9E]  }
0x1a: {  	s8 =	sadd.s32 $0xFFFFE003, lr  }
0x1b: {  	s9 =	sadd.s32 $0xFFFFFEF7, lr;
	s5 =	simm.s32 $0xFFFFFFFF;
	p2 =	slt.u32 s8, $0xFFFFF086  }
0x1c: {  	p1 =	slt.u32 s9, $0xF7A;
	s5 =	simm.s32 @!p2 $0x0  }
0x1d: {  	s5 =	simm.s32 @p1 $0x1;
	p0 =	seq.s32 s7, s2  }
0x1e: {  	s7 =	smul.u32 @!p0 $0xF7A, s2;
	p2 =	seq.s32 @!p0 s5, $0x0  }
0x1f: {  	s9 =	smul.u32 $0xF7A, s1;
	s8 =	simm.s32 @!p0 $0x1BF5;
	p2 =	por !p2, p0  }
0x20: {  	[sflag:s8] =	ssyncset.s32 @!p0 $0xFFFFF086;
	s6 =	sadd.s32 @!p0 s3, s7;
	s7 =	simm.s32 @!p0 $0x108  }
0x21: {  	s3 =	sadd.s32 s3, s9;
	s6 =	sadd.s32 @!p0 $0x88, s6;
	s7 =	simm.s32 @p2 $0x1082  }
0x22: {  	[simem:s7], [sflag:s8] =	dma.local @!p0 [hbm:s6], $0xF7A  }
0x23: {  	s9 =	sor.u32 $0xD0000000, s2;
	s6 =	simm.s32 $0x108;
	_ =	swait.ge @!p0 [sflag:s8], $0x0  }
0x24: {  	s3 =	sadd.s32 $0x88, s3;
	s6 =	simm.s32 @!p1 $0x1082;
	[sflag:s4] =	ssyncset.s32 $0xFFFFF086  }
0x25: {  	[simem:s6], [sflag:s4] =	dma.local [hbm:s3], $0xF7A  }
0x26: {  	[smem:$0x3F9E] =	sst s1;
	(tag) =	ssettag s2;
	_ =	strace s9  }
0x27: {  	s1 =	sld [smem:$0x3FAE]  }
0x28: {  	s2 =	sld [smem:$0x3FAF]  }
0x29: {  	s4 =	sld [smem:$0x3FB1]  }
0x2a: {  	p0 =	seq.s32 s5, $0x0;
	s5 =	sld [smem:$0x3FB2]  }
0x2b: {  	s6 =	sld [smem:$0x3FB3]  }
0x2c: {  	s7 =	sld [smem:$0x3FB4]  }
0x2d: {  	s3 =	simm.s32 $0x108;
	s8 =	sld [smem:$0x3FB5]  }
0x2e: {  	s3 =	simm.s32 @!p0 $0x1082;
	s9 =	sld [smem:$0x3FB6]  }
0x2f: {  	lr =	sadd.s32 s0, s3;
	s0 =	sld [smem:$0x3FAD]  }
0x30: {  	s3 =	sld [smem:$0x3FB0]  }
0x31: {  	[smem:$0x3FB9] =	sst s10  }
0x32: {  	s10 =	sld [smem:$0x3FB7];
	_ =	sdelay $0x3  }
0x33: {  	p0 =	seq.s32 s10, $0x1;
	s10 =	sld [smem:$0x3FB9];
	_ =	sdelay $0x3  }
0x34: {  	[smem:$0x3FB9] =	sst s10  }
0x35: {  	s10 =	sld [smem:$0x3FB8];
	_ =	sdelay $0x3  }
0x36: {  	p1 =	seq.s32 s10, $0x1;
	s10 =	sld [smem:$0x3FB9];
	_ =	sdelay $0x3  }
0x37: {  	[smem:$0x3FB9] =	sst s10  }
0x38: {  	s10 =	sld [smem:$0x3FBA]  }
0x39: {  	_ = 	snop;
	(pc) =	sbr.ind lr, $3  }
0x3a: {  	_ = 	snop  }
0x3b: {  	_ = 	snop  }
0x3c: {  	p2 =	seq.s32 s10, $0x1;
	s10 =	sld [smem:$0x3FB9]  }
0x3d: {  	_ =	shalt  }
0x3e: {  	_ =	shalt  }
0x3f: {  	_ =	shalt  }
0x40: {  	_ =	shalt  }
0x41: {  	_ =	shalt  }
0x42: {  	_ =	shalt  }
0x43: {  	_ =	shalt  }
0x44: {  	_ =	shalt  }
0x45: {  	_ =	shalt  }
0x46: {  	_ =	shalt  }
0x47: {  	_ =	shalt  }
0x48: {  	_ =	shalt  }
0x49: {  	_ =	shalt  }
0x4a: {  	_ =	shalt  }
0x4b: {  	_ =	shalt  }
0x4c: {  	_ =	shalt  }
0x4d: {  	_ =	shalt  }
0x4e: {  	_ =	shalt  }
0x4f: {  	_ =	shalt  }
0x50: {  	_ =	shalt  }
0x51: {  	_ =	shalt  }
0x52: {  	_ =	shalt  }
0x53: {  	_ =	shalt  }
0x54: {  	_ =	shalt  }
0x55: {  	_ =	shalt  }
0x56: {  	_ =	shalt  }
0x57: {  	_ =	shalt  }
0x58: {  	_ =	shalt  }
0x59: {  	_ =	shalt  }
0x5a: {  	_ =	shalt  }
0x5b: {  	_ =	shalt  }
0x5c: {  	_ =	shalt  }
0x5d: {  	_ =	shalt  }
0x5e: {  	_ =	shalt  }
0x5f: {  	_ =	shalt  }
0x60: {  	_ =	shalt  }
0x61: {  	_ =	shalt  }
0x62: {  	_ =	shalt  }
0x63: {  	_ =	shalt  }
0x64: {  	_ =	shalt  }
0x65: {  	_ =	shalt  }
0x66: {  	_ =	shalt  }
0x67: {  	_ =	shalt  }
0x68: {  	_ =	shalt  }
0x69: {  	_ =	shalt  }
0x6a: {  	_ =	shalt  }
0x6b: {  	_ =	shalt  }
0x6c: {  	_ =	shalt  }
0x6d: {  	_ =	shalt  }
0x6e: {  	_ =	shalt  }
0x6f: {  	_ =	shalt  }
0x70: {  	_ =	shalt  }
0x71: {  	_ =	shalt  }
0x72: {  	_ =	shalt  }
0x73: {  	_ =	shalt  }
0x74: {  	_ =	shalt  }
0x75: {  	_ =	shalt  }
0x76: {  	_ =	shalt  }
0x77: {  	_ =	shalt  }
0x78: {  	_ =	shalt  }
0x79: {  	_ =	shalt  }
0x7a: {  	_ =	shalt  }
0x7b: {  	_ =	shalt  }
0x7c: {  	_ =	shalt  }
0x7d: {  	_ =	shalt  }
0x7e: {  	_ =	shalt  }
0x7f: {  	_ =	shalt  }
0x80: {  	_ =	shalt  }
0x81: {  	_ =	shalt  }
0x82: {  	_ =	shalt  }
0x83: {  	_ =	shalt  }
0x84: {  	_ =	shalt  }
0x85: {  	_ =	shalt  }
0x86: {  	_ =	shalt  }
0x87: {  	_ =	shalt  }
.Lfunc_end0:
.L_simem_size_0:
called_computation_lowered:
.L_overlay_start_0:
0x88: {  	s2 =	sld [smem:$0x3FD9]  }
0x89: {  	s3 =	sld [smem:$0x3FFE];
	_ =	sdelay $0x1  }
0x8a: {  	s1 =	srdreg.scid  }
0x8b: {  	s0 =	sand.u32 $0x1, s1  }
0x8c: {  	s16 =	sshll.u32 s0, $0xA;
	s2 =	sadd.s32 s3, s2  }
0x8d: {  	s2 =	sadd.s32 s2, s16  }
0x8e: {  	[smem:$0x3FC5] =	sst s2  }
0x8f: {  	_ = 	snop  }
0x90: {  	(tm) =	ssettm $0x1  }
0x91: {  	s17 =	sld [smem:$0x3FFB];
	_ =	sdelay $0x3  }
0x92: {  	_ =	strace s17  }
0x93: {  	s2 =	sld [smem:$0x3FFC];
	_ =	sdelay $0x3  }
0x94: {  	_ =	strace s2  }
0x95: {  	s2 =	sld [smem:$0x3FFD];
	_ =	sdelay $0x3  }
0x96: {  	_ =	strace s2  }
0x97: {  	_ =	strace $0x8FFFFFFF  }
0x98: {  	s18 =	sld [smem:$0x3FDB];
	_ =	sdelay $0x1  }
0x99: {  	s19 =	simm.s32 $_scs_section_size  }
0x9a: {  	s4 =	simm.s32 $_size__tile_overlayer_lowered;
	s5 =	simm.s32 $_tile_overlayer_lowered  }
0x9b: {  	s22 =	simm.s32 $0x1BFF;
	s21 =	sshll.u32 s5, $0x1;
	s2 =	sadd.s32 s19, s18  }
0x9c: {  	s6 =	simm.s32 $0x0;
	s20 =	sshll.u32 s4, $0x1;
	s4 =	sadd.s32 s21, s2  }
0x9d: {  	[timem:s6], [sflag:s22] =	dma.local [hbm:s4], s20  }
0x9e: {  	_ =	swait.ge [sflag:s22], s20  }
0x9f: {  	s3 =	ssub.s32 $0x0, s20;
	[sflag:s22] =	ssyncset.done $0x0  }
0xa0: {  	[sflag:s22] =	ssyncadd.s32 s3;
	_ =	sdelay $0x1  }
0xa1: {  	s23 =	simm.s32 $0x1B8B  }
0xa2: {  	_ =	swait.ge [sflag:s23], $0x1  }
0xa3: {  	[sflag:s23] =	ssyncset.done $0x0  }
0xa4: {  	s25 =	simm.s32 $0x1B8E;
	s24 =	sld [smem:$0x3FFE];
	[sflag:s23] =	ssyncadd.s32 $0xFFFFFFFF  }
0xa5: {  	s26 =	simm.s32 $execute0_lowered;
	[smem:$0x3FD2] =	sst s25  }
0xa6: {  	s4 =	sshll.u32 s26, $0x1;
	_ =	strace $0x80000046;
	[dreg:$0x1] =	wrdreg $0xFFFFFFFF  }
0xa7: {  	s28 =	simm.s32 $_size_execute0_lowered;
	s2 =	sadd.s32 s2, s4;
	[dreg:$0x0] =	wrdreg $0x0  }
0xa8: {  	s4 =	sshll.u32 s28, $0x1;
	[dreg:$0x2] =	wrdreg s2  }
0xa9: {  	[dreg:$0x3] =	wrdreg s4  }
0xaa: {  	[dreg:$0x4] =	wrdreg $0xC0  }
0xab: {  	_ =	task [dreg:s6], $0x5FFFF  }
0xac: {  	[dreg:$0x1] =	wrdreg $0xFFFFFFFF  }
0xad: {  	[dreg:$0x0] =	wrdreg $0x60  }
0xae: {  	[dreg:$0x2] =	wrdreg s24  }
0xaf: {  	[dreg:$0x3] =	wrdreg $0x9  }
0xb0: {  	_ =	task.clear_ibuf [dreg:s6], $0x4FFFF;
	_ =	strace $0x90000046  }
0xb1: {  	s29 =	simm.s32 $0x9;
	_ =	strace $0x80000048  }
0xb2: {  	_ =	swait.ge [sflag:s29], $0x1  }
0xb3: {  	[sflag:s29] =	ssyncadd.s32 $0xFFFFFFFF  }
0xb4: {  	_ =	strace $0x90000048  }
0xb5: {  	_ =	sfence  }
0xb6: {  	s30 =	sld [smem:$0x0];
	_ =	sdelay $0x2  }
0xb7: {  	s31 =	sshll.u32 s1, $0xD;
	s1 =	sshrl.u32 s1, $0x2  }
0xb8: {  	s3 =	sand.u32 $0x4000, s31;
	s1 =	sadd.s32 s1, s30  }
0xb9: {  	s0 =	sor.u32 s3, s0;
	s1 =	sshll.u32 s1, $0x11  }
0xba: {  	s0 =	sor.u32 s1, s0  }
0xbb: {  	s0 =	sadd.s32 $0x8F2B, s0  }
0xbc: {  	[sflag:s0] =	ssyncadd.remote.s32 $0x1  }
0xbd: {  	_ =	sfence.sel $0xFFFF  }
0xbe: {  	[dreg:$0x0] =	wrdreg $0xFFFFFFFF;
	(pc) =	sbr.abs _section_cstart, $3  }
0xbf: {  	[dreg:$0x1] =	wrdreg $0xFFFFFFFF  }
0xc0: {  	_ =	task.clear_ibuf [dreg:s6], $0x2FFFF;
	_ =	strace $0x9FFFFFFF  }
0xc1: {  	(tm) =	ssettm $0x7FFFFFFF  }
tec
execute0_lowered:
.L_overlay_start_1:
0x0: {  	(tag) =	ssettag $0x1  }
0x1: {  	s1 =	srdreg.scid  }
0x2: {  	s0 =	stileid.u32;
	s5 =	rddreg [dreg:$0x0];
	s6 =	sand.u32 $0x1, s1  }
0x3: {  	s2 =	simm.s32 $0x0;
	s3 =	sshll.u32 s0, $0x3;
	s4 =	sshll.u32 s6, $0x2  }
0x4: {  	s7 =	simm.s32 $0x80;
	[smem:$0x7FF] =	sst s2;
	s3 =	sor.u32 s4, s3  }
0x5: {  	s1 =	rddreg [dreg:$0x1];
	_ =	strace $0x80000047;
	s9 =	sadd.s32 s3, s5  }
0x6: {  	s10 =	ssub.s32 $0x2, s6;
	s3 =	simm.s32 $0x2;
	s4 =	sadd.s32 $0x186D800, s9  }
0x7: {  	[tilespmem:s2], [sflag:$0x2] =	stream.linear.gather [hbm4b:s4+s2], $0x20, $0x38;
	[tilespmem:$0x100] =	vst v63  }
0x8: {  	s8 =	simm.s32 $0x1;
	s11 =	sshrl.u32 s10, $0x1;
	_ =	swait.ge [sflag:s3], $0x20  }
0x9: {  	s6 =	simm.s32 $0x20;
	s10 =	ssub.s32 s10, s11;
	[sflag:s3] =	ssyncset.done $0x0  }
0xa: {  	s5 =	sadd.s32 $0xC38800, s5;
	s10 =	smax.u32 s10, $0x1;
	[sflag:s3] =	ssyncadd.s32 $0xFFFFFFE0  }
0xb: {  	[tilespmem:s7], [sflag:$0x1] =	stream.indirect.gather [hbm4b:s5+s6], $0x1, s2, s6, $0xb8;
	[tilespmem:$0x100] =	vst v63  }
0xc: {  	p0 =	sne.s32 s10, $0x1;
	_ =	swait.ge [sflag:s8], $0x20  }
.Ltmp0:
0xd: {  	[sflag:s8] =	ssyncset.done $0x0;
	(pc) =	sbr.rel @!p0 .LBB2_2-.Ltmp0, $4  }
0xe: {  	s9 =	sadd.s32 $0x186DA00, s9;
	[sflag:s8] =	ssyncadd.s32 $0xFFFFFFE0  }
0xf: {  	[hbm4b:s9+s2] =	stream.linear.scatter [tilespmem:s7], [sflag:$0x2], $0x20, $0x38;
	[tilespmem:$0x100] =	vst v63  }
0x10: {  	_ =	swait.ge [sflag:s3], $0x20  }
0x11: {  	s10 =	sadd.s32 $0xFFFFFFFF, s10;
	[sflag:s3] =	ssyncset.done $0x0  }
.LBB2_1:
0x12: {  	p0 =	sne.s32 s10, $0x1;
	s10 =	sadd.s32 $0xFFFFFFFF, s10;
	[sflag:s3] =	ssyncadd.s32 $0xFFFFFFE0  }
0x13: {  	[tilespmem:s2], [sflag:$0x2] =	stream.linear.gather [hbm4b:s4+s2], $0x20, $0x38;
	[tilespmem:$0x100] =	vst v63  }
0x14: {  	_ =	swait.ge [sflag:s3], $0x20  }
0x15: {  	[sflag:s3] =	ssyncset.done $0x0  }
0x16: {  	[sflag:s3] =	ssyncadd.s32 $0xFFFFFFE0  }
0x17: {  	[tilespmem:s7], [sflag:$0x1] =	stream.indirect.gather [hbm4b:s5+s6], $0x1, s2, s6, $0xb8;
	[tilespmem:$0x100] =	vst v63  }
0x18: {  	_ =	swait.ge [sflag:s8], $0x20  }
.Ltmp1:
0x19: {  	[sflag:s8] =	ssyncset.done $0x0;
	(pc) =	sbr.rel @p0 .LBB2_1-.Ltmp1, $4  }
0x1a: {  	[sflag:s8] =	ssyncadd.s32 $0xFFFFFFE0  }
0x1b: {  	[hbm4b:s9+s2] =	stream.linear.scatter [tilespmem:s7], [sflag:$0x2], $0x20, $0x38;
	[tilespmem:$0x100] =	vst v63  }
0x1c: {  	_ =	swait.ge [sflag:s3], $0x20  }
0x1d: {  	[sflag:s3] =	ssyncset.done $0x0  }
.LBB2_2:
0x1e: {  	[sflag:s3] =	ssyncadd.s32 $0xFFFFFFE0  }
0x1f: {  	_ =	sfence.sel $0x180000  }
0x20: {  	[bflag:$0x0] =	sbarrier.arrive $0xFFFF  }
0x21: {  	p0 =	sne.s32 s0, $0x0;
	_ =	strace $0x90000047  }
0x22: {  	s0 =	sadd.s32 @!p0 $0x100000, s1;
	[bflag:$0x2] =	sbarrier.arrive $0xFFFF  }
0x23: {  	[sflag:s0] =	ssyncadd.tile.s32 @!p0 $0x1;
	_ =	shalt  }
.Lfunc_end2:
_tile_overlayer_lowered:
.L_overlay_start_2:
0x24: {  	(tag) =	ssettag $0x2  }
0x25: {  	s0 =	rddreg [dreg:$0x0];
	s2 =	stileid.u32  }
0x26: {  	s1 =	rddreg [dreg:$0x1];
	p0 =	sne.s32 s2, $0x0  }
0x27: {  	s3 =	rddreg [dreg:$0x2];
	[bflag:$0x3] =	sbarrier.arrive $0xFFFF;
	s2 =	simm.s32 @!p0 $0x1C02  }
0x28: {  	[timem:s3], [sflag:s2] =	dma.local @!p0 [hbm:s0], s1  }
0x29: {  	s0 =	simm.s32 @!p0 $0x2  }
0x2a: {  	_ =	swait.ge @!p0 [sflag:s0], s1  }
0x2b: {  	s1 =	ssub.s32 @!p0 $0x0, s1;
	[sflag:s0] =	ssyncset.done @!p0 $0x0  }
0x2c: {  	[sflag:s0] =	ssyncadd.s32 @!p0 s1  }
0x2d: {  	[bflag:$0x3] =	sbarrier.arrive $0xFFFF  }
0x2e: {  	_ =	shalt  }

</sc_bundles>
